<compile_context>
chip_gen: v7x
topology: tpu7x:2x2x1
jax: 0.10.2.dev20260603
libtpu: 0.0.44.dev20260713+nightly
codegen_flags: <defaults>
</compile_context>

<pallas_src>
import functools

import jax
import jax.numpy as jnp
from jax import lax
from jax.experimental import pallas as pl
from jax.experimental.pallas import tpu as pltpu
from jax.experimental.pallas import tpu_sc as plsc

NPOINT = 512
KNN = 16
N = 8192
B = 4
RB = 128
BIGI = 2**30


def _fps_body(xyz2d_ref, xyzs_ref, sel_ref):
    xs = [[xyz2d_ref[b, c] for c in range(3)] for b in range(B)]
    iota_f = (lax.broadcasted_iota(jnp.int32, (8, 1024), 0) * 1024
              + lax.broadcasted_iota(jnp.int32, (8, 1024), 1)
              ).astype(jnp.float32)

    def step(i, carry):
        out = []
        for b in range(B):
            dist, far = carry[b]
            x0, x1, x2 = xs[b]
            c0 = xyzs_ref[b, 0, far]
            c1 = xyzs_ref[b, 0, N + far]
            c2 = xyzs_ref[b, 0, 2 * N + far]
            sel_ref[b, pl.ds(i, 1), 0:1] = jnp.reshape(c0, (1, 1))
            sel_ref[b, pl.ds(i, 1), 1:2] = jnp.reshape(c1, (1, 1))
            sel_ref[b, pl.ds(i, 1), 2:3] = jnp.reshape(c2, (1, 1))
            sel_ref[b, pl.ds(i, 1), 3:4] = jnp.reshape(
                far.astype(jnp.float32), (1, 1))
            d = (x0 - c0) ** 2 + (x1 - c1) ** 2
            d = d + (x2 - c2) ** 2
            dist = jnp.minimum(dist, d)
            mv = jnp.max(dist, axis=1, keepdims=True)
            m = jnp.max(mv, axis=0, keepdims=True)
            kf = jnp.where(dist == m, iota_f, jnp.float32(1e9))
            fv = jnp.min(kf, axis=1, keepdims=True)
            far = jnp.min(fv).astype(jnp.int32)
            out.append((dist, far))
        return tuple(out)

    dist0 = jnp.full((8, 1024), 1e10, dtype=jnp.float32)
    init = tuple((dist0, jnp.int32(0)) for _ in range(B))
    lax.fori_loop(0, NPOINT, step, init)


def _fps(xyz2d, xyzs):
    return pl.pallas_call(
        _fps_body,
        grid=(1,),
        in_specs=[
            pl.BlockSpec((B, 3, 8, 1024), lambda i: (0, 0, 0, 0)),
            pl.BlockSpec((B, 1, 3 * N), lambda i: (0, 0, 0),
                         memory_space=pltpu.SMEM),
        ],
        out_specs=pl.BlockSpec((B, NPOINT, 8), lambda i: (0, 0, 0)),
        out_shape=jax.ShapeDtypeStruct((B, NPOINT, 8), jnp.float32),
    )(xyz2d, xyzs)


def _knn_body(xyzf_ref, sel_ref, knn_ref):
    b = pl.program_id(0)
    xf0 = xyzf_ref[0, 0]
    xf1 = xyzf_ref[0, 1]
    xf2 = xyzf_ref[0, 2]
    col_iota_f = lax.broadcasted_iota(jnp.int32, (RB, N), 1
                                      ).astype(jnp.float32)
    k_iota = lax.broadcasted_iota(jnp.int32, (RB, KNN), 1)
    base = b * N

    s0 = sel_ref[0, :, 0:1]
    s1 = sel_ref[0, :, 1:2]
    s2 = sel_ref[0, :, 2:3]
    selff = sel_ref[0, :, 3:4]
    dmat = (s0 - xf0) ** 2 + (s1 - xf1) ** 2
    dmat = dmat + (s2 - xf2) ** 2

    def pick(k, carry):
        dmat, acc = carry
        m = jnp.min(dmat, axis=1, keepdims=True)
        idxf = jnp.min(jnp.where(dmat == m, col_iota_f, jnp.float32(1e9)),
                       axis=1, keepdims=True)
        acc = jnp.where(k_iota == k, idxf.astype(jnp.int32) + base, acc)
        dmat = jnp.where(col_iota_f == idxf, jnp.float32(jnp.inf), dmat)
        return dmat, acc

    acc0 = jnp.where(k_iota == 0, selff.astype(jnp.int32) + base, 0)
    dmat = jnp.where(col_iota_f == selff, jnp.float32(jnp.inf), dmat)
    _, acc = lax.fori_loop(1, KNN, pick, (dmat, acc0))
    knn_ref[0, :, :] = acc


def _knn(xyzf4, sel):
    return pl.pallas_call(
        _knn_body,
        grid=(B, NPOINT // RB),
        in_specs=[
            pl.BlockSpec((1, 3, 1, N), lambda b, r: (b, 0, 0, 0)),
            pl.BlockSpec((1, RB, 8), lambda b, r: (b, r, 0)),
        ],
        out_specs=pl.BlockSpec((1, RB, KNN), lambda b, r: (b, r, 0)),
        out_shape=jax.ShapeDtypeStruct((B, NPOINT, KNN), jnp.int32),
        compiler_params=pltpu.CompilerParams(
            dimension_semantics=("parallel", "parallel")),
    )(xyzf4, sel)


_NC = 2
_NS = 16
_NW = _NC * _NS
_ROWS = B * NPOINT * KNN
_PER_W = _ROWS // _NW


@functools.lru_cache(maxsize=1)
def _make_sc_gather():
    @functools.partial(
        pl.kernel,
        mesh=plsc.VectorSubcoreMesh(core_axis_name="c", subcore_axis_name="s"),
        out_type=jax.ShapeDtypeStruct((_ROWS, 16), jnp.float32),
        scratch_types=[
            pltpu.VMEM((_PER_W,), jnp.int32),
            pltpu.VMEM((_PER_W, 16), jnp.float32),
            pltpu.SemaphoreType.DMA,
        ],
        compiler_params=pltpu.CompilerParams(use_tc_tiling_on_sc=False),
    )
    def _sc_gather(table_hbm, idx_hbm, out_hbm, idx_v, rows_v, sem):
        wid = lax.axis_index("s") * _NC + lax.axis_index("c")
        base = wid * _PER_W
        pltpu.sync_copy(idx_hbm.at[pl.ds(base, _PER_W)], idx_v)
        pltpu.async_copy(table_hbm.at[idx_v], rows_v, sem).wait()
        pltpu.sync_copy(rows_v, out_hbm.at[pl.ds(base, _PER_W)])

    return _sc_gather


def kernel(x):
    xyz = jnp.transpose(x[:, :, :3], (0, 2, 1))
    xyz2d = xyz.reshape(B, 3, 8, 1024)
    xyzf4 = xyz.reshape(B, 3, 1, N)
    xyzs = xyz.reshape(B, 1, 3 * N)
    sel = _fps(xyz2d, xyzs)
    knn_idx = _knn(xyzf4, sel)
    table = x.reshape(B * N, 16)
    rows = _make_sc_gather()(table, knn_idx.reshape(_ROWS))
    return rows.reshape(B, NPOINT, KNN, 16)

# --- scband reference (transcript-rebuilt; emitter-appended) ---
"""Pipeline reference for scband-fpsknngrouper-15771119911461 (READ-ONLY COPY).

The authoritative reference and input builder live on the scoring server;
editing this copy changes nothing except your own understanding.
"""

import jax, jax.numpy as jnp
import numpy as np

POINTS = 512
KNN = 16


def furthest_point_sample(xyz, npoint):
    # Deterministic FPS starting from point index 0 (matches pointnet2 CUDA op).
    B, N, _ = xyz.shape

    def body(i, state):
        centroids, distance, farthest = state
        centroids = centroids.at[:, i].set(farthest)
        centroid = xyz[jnp.arange(B), farthest][:, None, :]  # [B,1,3]
        dist = jnp.sum((xyz - centroid) ** 2, axis=-1)  # [B,N]
        distance = jnp.minimum(distance, dist)
        farthest = jnp.argmax(distance, axis=-1).astype(jnp.int32)
        return (centroids, distance, farthest)

    centroids = jnp.zeros((B, npoint), dtype=jnp.int32)
    distance = jnp.full((B, N), 1e10, dtype=xyz.dtype)
    farthest = jnp.zeros((B,), dtype=jnp.int32)
    centroids, _, _ = jax.lax.fori_loop(0, npoint, body, (centroids, distance, farthest))
    return centroids


def index_points(points, idx):
    raw_shape = idx.shape
    B = raw_shape[0]
    C = points.shape[-1]
    idx_flat = idx.reshape(B, -1)
    gather_idx = jnp.broadcast_to(idx_flat[..., None], (B, idx_flat.shape[1], C))
    res = jnp.take_along_axis(points, gather_idx, axis=1)
    return res.reshape(*raw_shape, C)


def square_distance(src, dst):
    # Faithful broadcast form: sum((src[:,:,None]-dst[:,None])**2, -1)
    return jnp.sum((src[:, :, None] - dst[:, None]) ** 2, axis=-1)


def setup_inputs(seed: int = 0) -> dict:
    key = jax.random.key(seed)
    x = jax.random.normal(key, (4, 8192, 16), dtype=jnp.float32)
    return {"x": x}


def reference(x):
    idx = furthest_point_sample(x[:, :, :3], POINTS)
    sampled_points = index_points(x, idx)
    distances = square_distance(sampled_points[:, :, :3], x[:, :, :3])
    knn_idx = jnp.argsort(distances, axis=-1)[:, :, :KNN]
    grouped_points = index_points(x, knn_idx)
    return grouped_points

if __name__ == "__main__":
    import jax
    _d = setup_inputs()
    print(jax.jit(kernel)(*tuple(_d.values())))

</pallas_src>

<mosaic_0001>
#map = affine_map<(d0, d1) -> (0, 0)>
#map1 = affine_map<(d0, d1) -> (0)>
module attributes {stable_mosaic.version = 14 : i64} {
  func.func @_sc_gather(%arg0: i32, %arg1: i32, %arg2: memref<32768x16xf32, #tpu.memory_space<hbm>>, %arg3: memref<32768xi32, #tpu.memory_space<hbm>>, %arg4: memref<32768x16xf32, #tpu.memory_space<hbm>>, %arg5: memref<1024xi32, #tpu.memory_space<vmem>>, %arg6: memref<1024x16xf32, #tpu.memory_space<vmem>>, %arg7: memref<!tpu.dma_semaphore, #tpu.memory_space<semaphore_mem>>) attributes {dimension_semantics = [#tpu.dimension_semantics<core_parallel>, #tpu.dimension_semantics<subcore_parallel>], iteration_bounds = array<i64: 2, 16>, scalar_prefetch = 0 : i64, scratch_operands = 3 : i64, tpu.core_type = #tpu.core_type<sc_vector_subcore>, window_params = [{transform_indices = #map}, {transform_indices = #map1}, {transform_indices = #map}]} {
    %mul3A = arith.constant 2 : i32
    %mul3A_0 = arith.muli %arg1, %mul3A : i32
    %add3A = arith.addi %mul3A_0, %arg0 : i32
    %mul3A_1 = arith.constant 1024 : i32
    %mul3A_2 = arith.muli %add3A, %mul3A_1 : i32
    "tpu.region"() ({
      %run_scoped3A = tpu.sem_alloc : memref<!tpu.dma_semaphore, #tpu.memory_space<semaphore_mem>>
      %dma_start3A_7 = tpu.memref_slice %arg3[%mul3A_2] : memref<32768xi32, #tpu.memory_space<hbm>> -> memref<1024xi32, #tpu.memory_space<hbm>>
      %dma_start3A_8 = tpu.memref_slice %arg3[%mul3A_2] : memref<32768xi32, #tpu.memory_space<hbm>> -> memref<1024xi32, #tpu.memory_space<hbm>>
      tpu.enqueue_dma source(%dma_start3A_8 : memref<1024xi32, #tpu.memory_space<hbm>>) target(%arg5 : memref<1024xi32, #tpu.memory_space<vmem>>) target_semaphore(%run_scoped3A : memref<!tpu.dma_semaphore, #tpu.memory_space<semaphore_mem>>)
      %dma_wait3A_9 = tpu.memref_slice %arg3[%mul3A_2] : memref<32768xi32, #tpu.memory_space<hbm>> -> memref<1024xi32, #tpu.memory_space<hbm>>
      %dma_wait3A_10 = tpu.memref_slice %arg3[%mul3A_2] : memref<32768xi32, #tpu.memory_space<hbm>> -> memref<1024xi32, #tpu.memory_space<hbm>>
      tpu.wait_dma2 semaphore(%run_scoped3A : memref<!tpu.dma_semaphore, #tpu.memory_space<semaphore_mem>>) src(%dma_wait3A_10 : memref<1024xi32, #tpu.memory_space<hbm>>) dst(%arg5 : memref<1024xi32, #tpu.memory_space<vmem>>)
      tpu.yield
    }) : () -> ()
    %dma_start3A = arith.constant 0 : i32
    %dma_start3A_3 = arith.constant 0 : i32
    %dma_start3A_4 = tpu.memref_slice %arg2[%dma_start3A, %dma_start3A_3] : memref<32768x16xf32, #tpu.memory_space<hbm>> -> memref<32768x16xf32, #tpu.memory_space<hbm>>
    tpu.enqueue_indirect_dma source(%dma_start3A_4 : memref<32768x16xf32, #tpu.memory_space<hbm>>) target(%arg6 : memref<1024x16xf32, #tpu.memory_space<vmem>>) offsets(%arg5 : memref<1024xi32, #tpu.memory_space<vmem>>) semaphore(%arg7 : memref<!tpu.dma_semaphore, #tpu.memory_space<semaphore_mem>>)
    %dma_wait3A = arith.constant 0 : i32
    %dma_wait3A_5 = arith.constant 0 : i32
    %dma_wait3A_6 = tpu.memref_slice %arg2[%dma_wait3A, %dma_wait3A_5] : memref<32768x16xf32, #tpu.memory_space<hbm>> -> memref<32768x16xf32, #tpu.memory_space<hbm>>
    tpu.wait_indirect_dma semaphore(%arg7 : memref<!tpu.dma_semaphore, #tpu.memory_space<semaphore_mem>>) src(%dma_wait3A_6 : memref<32768x16xf32, #tpu.memory_space<hbm>>) dst(%arg6 : memref<1024x16xf32, #tpu.memory_space<vmem>>)
    "tpu.region"() ({
      %run_scoped3A = tpu.sem_alloc : memref<!tpu.dma_semaphore, #tpu.memory_space<semaphore_mem>>
      %dma_start3A_7 = arith.constant 0 : i32
      %dma_start3A_8 = tpu.memref_slice %arg4[%mul3A_2, %dma_start3A_7] : memref<32768x16xf32, #tpu.memory_space<hbm>> -> memref<1024x16xf32, #tpu.memory_space<hbm>>
      %dma_start3A_9 = arith.constant 0 : i32
      %dma_start3A_10 = tpu.memref_slice %arg4[%mul3A_2, %dma_start3A_9] : memref<32768x16xf32, #tpu.memory_space<hbm>> -> memref<1024x16xf32, #tpu.memory_space<hbm>>
      tpu.enqueue_dma source(%arg6 : memref<1024x16xf32, #tpu.memory_space<vmem>>) target(%dma_start3A_10 : memref<1024x16xf32, #tpu.memory_space<hbm>>) target_semaphore(%run_scoped3A : memref<!tpu.dma_semaphore, #tpu.memory_space<semaphore_mem>>)
      %dma_wait3A_11 = arith.constant 0 : i32
      %dma_wait3A_12 = tpu.memref_slice %arg4[%mul3A_2, %dma_wait3A_11] : memref<32768x16xf32, #tpu.memory_space<hbm>> -> memref<1024x16xf32, #tpu.memory_space<hbm>>
      %dma_wait3A_13 = arith.constant 0 : i32
      %dma_wait3A_14 = tpu.memref_slice %arg4[%mul3A_2, %dma_wait3A_13] : memref<32768x16xf32, #tpu.memory_space<hbm>> -> memref<1024x16xf32, #tpu.memory_space<hbm>>
      tpu.wait_dma2 semaphore(%run_scoped3A : memref<!tpu.dma_semaphore, #tpu.memory_space<semaphore_mem>>) src(%arg6 : memref<1024x16xf32, #tpu.memory_space<vmem>>) dst(%dma_wait3A_14 : memref<1024x16xf32, #tpu.memory_space<hbm>>)
      tpu.yield
    }) : () -> ()
    return
  }
}

module attributes {stable_mosaic.version = 14 : i64} {
  func.func @_fps_body(%arg0: i32, %arg1: memref<4x3x8x1024xf32, #tpu.memory_space<vmem>>, %arg2: memref<4x1x24576xf32, #tpu.memory_space<smem>>, %arg3: memref<4x512x8xf32, #tpu.memory_space<vmem>>) attributes {dimension_semantics = [#tpu.dimension_semantics<arbitrary>], iteration_bounds = array<i64: 1>, scalar_prefetch = 0 : i64, scratch_operands = 0 : i64, tpu.core_type = #tpu.core_type<tc>, window_params = [{pipeline_mode = #tpu.pipeline_mode<synchronous>, transform_indices = @transform_0, window_bounds = array<i64: 4, 3, 8, 1024>}, {transform_indices = @transform_1, window_bounds = array<i64: 4, 1, 24576>}, {pipeline_mode = #tpu.pipeline_mode<synchronous>, transform_indices = @transform_2, window_bounds = array<i64: 4, 512, 8>}]} {
    %get3A = arith.constant 0 : index
    %get3A_0 = arith.constant 0 : index
    %get3A_1 = arith.constant 0 : index
    %get3A_2 = arith.constant 0 : index
    %get3A_3 = vector.load %arg1[%get3A, %get3A_0, %get3A_1, %get3A_2] : memref<4x3x8x1024xf32, #tpu.memory_space<vmem>>, vector<1x1x8x1024xf32>
    %get3A_4 = vector.shape_cast %get3A_3 : vector<1x1x8x1024xf32> to vector<8x1024xf32>
    %get3A_5 = arith.constant 0 : index
    %get3A_6 = arith.constant 1 : index
    %get3A_7 = arith.constant 0 : index
    %get3A_8 = arith.constant 0 : index
    %get3A_9 = vector.load %arg1[%get3A_5, %get3A_6, %get3A_7, %get3A_8] : memref<4x3x8x1024xf32, #tpu.memory_space<vmem>>, vector<1x1x8x1024xf32>
    %get3A_10 = vector.shape_cast %get3A_9 : vector<1x1x8x1024xf32> to vector<8x1024xf32>
    %get3A_11 = arith.constant 0 : index
    %get3A_12 = arith.constant 2 : index
    %get3A_13 = arith.constant 0 : index
    %get3A_14 = arith.constant 0 : index
    %get3A_15 = vector.load %arg1[%get3A_11, %get3A_12, %get3A_13, %get3A_14] : memref<4x3x8x1024xf32, #tpu.memory_space<vmem>>, vector<1x1x8x1024xf32>
    %get3A_16 = vector.shape_cast %get3A_15 : vector<1x1x8x1024xf32> to vector<8x1024xf32>
    %get3A_17 = arith.constant 1 : index
    %get3A_18 = arith.constant 0 : index
    %get3A_19 = arith.constant 0 : index
    %get3A_20 = arith.constant 0 : index
    %get3A_21 = vector.load %arg1[%get3A_17, %get3A_18, %get3A_19, %get3A_20] : memref<4x3x8x1024xf32, #tpu.memory_space<vmem>>, vector<1x1x8x1024xf32>
    %get3A_22 = vector.shape_cast %get3A_21 : vector<1x1x8x1024xf32> to vector<8x1024xf32>
    %get3A_23 = arith.constant 1 : index
    %get3A_24 = arith.constant 1 : index
    %get3A_25 = arith.constant 0 : index
    %get3A_26 = arith.constant 0 : index
    %get3A_27 = vector.load %arg1[%get3A_23, %get3A_24, %get3A_25, %get3A_26] : memref<4x3x8x1024xf32, #tpu.memory_space<vmem>>, vector<1x1x8x1024xf32>
    %get3A_28 = vector.shape_cast %get3A_27 : vector<1x1x8x1024xf32> to vector<8x1024xf32>
    %get3A_29 = arith.constant 1 : index
    %get3A_30 = arith.constant 2 : index
    %get3A_31 = arith.constant 0 : index
    %get3A_32 = arith.constant 0 : index
    %get3A_33 = vector.load %arg1[%get3A_29, %get3A_30, %get3A_31, %get3A_32] : memref<4x3x8x1024xf32, #tpu.memory_space<vmem>>, vector<1x1x8x1024xf32>
    %get3A_34 = vector.shape_cast %get3A_33 : vector<1x1x8x1024xf32> to vector<8x1024xf32>
    %get3A_35 = arith.constant 2 : index
    %get3A_36 = arith.constant 0 : index
    %get3A_37 = arith.constant 0 : index
    %get3A_38 = arith.constant 0 : index
    %get3A_39 = vector.load %arg1[%get3A_35, %get3A_36, %get3A_37, %get3A_38] : memref<4x3x8x1024xf32, #tpu.memory_space<vmem>>, vector<1x1x8x1024xf32>
    %get3A_40 = vector.shape_cast %get3A_39 : vector<1x1x8x1024xf32> to vector<8x1024xf32>
    %get3A_41 = arith.constant 2 : index
    %get3A_42 = arith.constant 1 : index
    %get3A_43 = arith.constant 0 : index
    %get3A_44 = arith.constant 0 : index
    %get3A_45 = vector.load %arg1[%get3A_41, %get3A_42, %get3A_43, %get3A_44] : memref<4x3x8x1024xf32, #tpu.memory_space<vmem>>, vector<1x1x8x1024xf32>
    %get3A_46 = vector.shape_cast %get3A_45 : vector<1x1x8x1024xf32> to vector<8x1024xf32>
    %get3A_47 = arith.constant 2 : index
    %get3A_48 = arith.constant 2 : index
    %get3A_49 = arith.constant 0 : index
    %get3A_50 = arith.constant 0 : index
    %get3A_51 = vector.load %arg1[%get3A_47, %get3A_48, %get3A_49, %get3A_50] : memref<4x3x8x1024xf32, #tpu.memory_space<vmem>>, vector<1x1x8x1024xf32>
    %get3A_52 = vector.shape_cast %get3A_51 : vector<1x1x8x1024xf32> to vector<8x1024xf32>
    %get3A_53 = arith.constant 3 : index
    %get3A_54 = arith.constant 0 : index
    %get3A_55 = arith.constant 0 : index
    %get3A_56 = arith.constant 0 : index
    %get3A_57 = vector.load %arg1[%get3A_53, %get3A_54, %get3A_55, %get3A_56] : memref<4x3x8x1024xf32, #tpu.memory_space<vmem>>, vector<1x1x8x1024xf32>
    %get3A_58 = vector.shape_cast %get3A_57 : vector<1x1x8x1024xf32> to vector<8x1024xf32>
    %get3A_59 = arith.constant 3 : index
    %get3A_60 = arith.constant 1 : index
    %get3A_61 = arith.constant 0 : index
    %get3A_62 = arith.constant 0 : index
    %get3A_63 = vector.load %arg1[%get3A_59, %get3A_60, %get3A_61, %get3A_62] : memref<4x3x8x1024xf32, #tpu.memory_space<vmem>>, vector<1x1x8x1024xf32>
    %get3A_64 = vector.shape_cast %get3A_63 : vector<1x1x8x1024xf32> to vector<8x1024xf32>
    %get3A_65 = arith.constant 3 : index
    %get3A_66 = arith.constant 2 : index
    %get3A_67 = arith.constant 0 : index
    %get3A_68 = arith.constant 0 : index
    %get3A_69 = vector.load %arg1[%get3A_65, %get3A_66, %get3A_67, %get3A_68] : memref<4x3x8x1024xf32, #tpu.memory_space<vmem>>, vector<1x1x8x1024xf32>
    %get3A_70 = vector.shape_cast %get3A_69 : vector<1x1x8x1024xf32> to vector<8x1024xf32>
    %iota3A = tpu.iota {dimensions = array<i32: 0>} : vector<8x1024xi32>
    %mul3A = arith.constant 1024 : i32
    %mul3A_71 = vector.broadcast %mul3A : i32 to vector<8x1024xi32>
    %mul3A_72 = arith.muli %iota3A, %mul3A_71 : vector<8x1024xi32>
    %iota3A_73 = tpu.iota {dimensions = array<i32: 1>} : vector<8x1024xi32>
    %add3A = arith.addi %mul3A_72, %iota3A_73 : vector<8x1024xi32>
    %convert_element_type3A = arith.sitofp %add3A : vector<8x1024xi32> to vector<8x1024xf32>
    %broadcast_in_dim3A = arith.constant 1.000000e+10 : f32
    %broadcast_in_dim3A_74 = vector.broadcast %broadcast_in_dim3A : f32 to vector<8x1024xf32>
    %scan3A = arith.constant 0 : i32
    %scan3A_75 = arith.constant 0 : i32
    %scan3A_76 = arith.constant 0 : i32
    %scan3A_77 = arith.constant 0 : i32
    %scan3A_78 = arith.constant 0 : i32
    %scan3A_79 = arith.constant 512 : i32
    %scan3A_80 = arith.addi %scan3A_78, %scan3A_79 : i32
    %scan3A_81 = arith.constant 1 : i32
    %scan3A_82:8 = scf.for %scan3A_84 = %scan3A_78 to %scan3A_80 step %scan3A_81 iter_args(%scan3A_85 = %broadcast_in_dim3A_74, %scan3A_86 = %scan3A, %scan3A_87 = %broadcast_in_dim3A_74, %scan3A_88 = %scan3A_75, %scan3A_89 = %broadcast_in_dim3A_74, %scan3A_90 = %scan3A_76, %scan3A_91 = %broadcast_in_dim3A_74, %scan3A_92 = %scan3A_77) -> (vector<8x1024xf32>, i32, vector<8x1024xf32>, i32, vector<8x1024xf32>, i32, vector<8x1024xf32>, i32)  : i32 {
      %get3A_93 = arith.constant 0 : index
      %get3A_94 = arith.constant 0 : index
      %get3A_95 = arith.index_cast %scan3A_86 : i32 to index
      %get3A_96 = memref.load %arg2[%get3A_93, %get3A_94, %get3A_95] : memref<4x1x24576xf32, #tpu.memory_space<smem>>
      %add3A_97 = arith.constant 8192 : i32
      %add3A_98 = arith.addi %add3A_97, %scan3A_86 : i32
      %get3A_99 = arith.constant 0 : index
      %get3A_100 = arith.constant 0 : index
      %get3A_101 = arith.index_cast %add3A_98 : i32 to index
      %get3A_102 = memref.load %arg2[%get3A_99, %get3A_100, %get3A_101] : memref<4x1x24576xf32, #tpu.memory_space<smem>>
      %add3A_103 = arith.constant 16384 : i32
      %add3A_104 = arith.addi %add3A_103, %scan3A_86 : i32
      %get3A_105 = arith.constant 0 : index
      %get3A_106 = arith.constant 0 : index
      %get3A_107 = arith.index_cast %add3A_104 : i32 to index
      %get3A_108 = memref.load %arg2[%get3A_105, %get3A_106, %get3A_107] : memref<4x1x24576xf32, #tpu.memory_space<smem>>
      %reshape3A = vector.broadcast %get3A_96 : f32 to vector<1x1xf32>
      %swap3A = arith.constant 0 : index
      %swap3A_109 = arith.index_cast %scan3A_84 : i32 to index
      %swap3A_110 = arith.constant 0 : index
      %swap3A_111 = vector.load %arg3[%swap3A, %swap3A_109, %swap3A_110] : memref<4x512x8xf32, #tpu.memory_space<vmem>>, vector<1x1x1xf32>
      %swap3A_112 = vector.shape_cast %swap3A_111 : vector<1x1x1xf32> to vector<1x1xf32>
      %swap3A_113 = vector.shape_cast %reshape3A : vector<1x1xf32> to vector<1x1x1xf32>
      tpu.vector_store %arg3[%swap3A, %swap3A_109, %swap3A_110], %swap3A_113 {strides = array<i32>} : memref<4x512x8xf32, #tpu.memory_space<vmem>>, vector<1x1x1xf32>,
      %reshape3A_114 = vector.broadcast %get3A_102 : f32 to vector<1x1xf32>
      %swap3A_115 = arith.constant 0 : index
      %swap3A_116 = arith.index_cast %scan3A_84 : i32 to index
      %swap3A_117 = arith.constant 1 : index
      %swap3A_118 = vector.load %arg3[%swap3A_115, %swap3A_116, %swap3A_117] : memref<4x512x8xf32, #tpu.memory_space<vmem>>, vector<1x1x1xf32>
      %swap3A_119 = vector.shape_cast %swap3A_118 : vector<1x1x1xf32> to vector<1x1xf32>
      %swap3A_120 = vector.shape_cast %reshape3A_114 : vector<1x1xf32> to vector<1x1x1xf32>
      tpu.vector_store %arg3[%swap3A_115, %swap3A_116, %swap3A_117], %swap3A_120 {strides = array<i32>} : memref<4x512x8xf32, #tpu.memory_space<vmem>>, vector<1x1x1xf32>,
      %reshape3A_121 = vector.broadcast %get3A_108 : f32 to vector<1x1xf32>
      %swap3A_122 = arith.constant 0 : index
      %swap3A_123 = arith.index_cast %scan3A_84 : i32 to index
      %swap3A_124 = arith.constant 2 : index
      %swap3A_125 = vector.load %arg3[%swap3A_122, %swap3A_123, %swap3A_124] : memref<4x512x8xf32, #tpu.memory_space<vmem>>, vector<1x1x1xf32>
      %swap3A_126 = vector.shape_cast %swap3A_125 : vector<1x1x1xf32> to vector<1x1xf32>
      %swap3A_127 = vector.shape_cast %reshape3A_121 : vector<1x1xf32> to vector<1x1x1xf32>
      tpu.vector_store %arg3[%swap3A_122, %swap3A_123, %swap3A_124], %swap3A_127 {strides = array<i32>} : memref<4x512x8xf32, #tpu.memory_space<vmem>>, vector<1x1x1xf32>,
      %convert_element_type3A_128 = arith.sitofp %scan3A_86 : i32 to f32
      %reshape3A_129 = vector.broadcast %convert_element_type3A_128 : f32 to vector<1x1xf32>
      %swap3A_130 = arith.constant 0 : index
      %swap3A_131 = arith.index_cast %scan3A_84 : i32 to index
      %swap3A_132 = arith.constant 3 : index
      %swap3A_133 = vector.load %arg3[%swap3A_130, %swap3A_131, %swap3A_132] : memref<4x512x8xf32, #tpu.memory_space<vmem>>, vector<1x1x1xf32>
      %swap3A_134 = vector.shape_cast %swap3A_133 : vector<1x1x1xf32> to vector<1x1xf32>
      %swap3A_135 = vector.shape_cast %reshape3A_129 : vector<1x1xf32> to vector<1x1x1xf32>
      tpu.vector_store %arg3[%swap3A_130, %swap3A_131, %swap3A_132], %swap3A_135 {strides = array<i32>} : memref<4x512x8xf32, #tpu.memory_space<vmem>>, vector<1x1x1xf32>,
      %sub3A = vector.broadcast %get3A_96 : f32 to vector<8x1024xf32>
      %sub3A_136 = arith.subf %get3A_4, %sub3A : vector<8x1024xf32>
      %integer_pow3A = arith.mulf %sub3A_136, %sub3A_136 : vector<8x1024xf32>
      %sub3A_137 = vector.broadcast %get3A_102 : f32 to vector<8x1024xf32>
      %sub3A_138 = arith.subf %get3A_10, %sub3A_137 : vector<8x1024xf32>
      %integer_pow3A_139 = arith.mulf %sub3A_138, %sub3A_138 : vector<8x1024xf32>
      %add3A_140 = arith.addf %integer_pow3A, %integer_pow3A_139 : vector<8x1024xf32>
      %sub3A_141 = vector.broadcast %get3A_108 : f32 to vector<8x1024xf32>
      %sub3A_142 = arith.subf %get3A_16, %sub3A_141 : vector<8x1024xf32>
      %integer_pow3A_143 = arith.mulf %sub3A_142, %sub3A_142 : vector<8x1024xf32>
      %add3A_144 = arith.addf %add3A_140, %integer_pow3A_143 : vector<8x1024xf32>
      %min3A = arith.minimumf %scan3A_85, %add3A_144 : vector<8x1024xf32>
      %reduce_max3A = arith.constant dense<0xFF800000> : vector<8xf32>
      %reduce_max3A_145 = vector.multi_reduction <maximumf>, %min3A, %reduce_max3A [1] : vector<8x1024xf32> to vector<8xf32>
      %broadcast_in_dim3A_146 = vector.shape_cast %reduce_max3A_145 : vector<8xf32> to vector<8x1xf32>
      %reduce_max3A_147 = arith.constant dense<0xFF800000> : vector<1xf32>
      %reduce_max3A_148 = vector.multi_reduction <maximumf>, %broadcast_in_dim3A_146, %reduce_max3A_147 [0] : vector<8x1xf32> to vector<1xf32>
      %broadcast_in_dim3A_149 = vector.shape_cast %reduce_max3A_148 : vector<1xf32> to vector<1x1xf32>
      %eq3A = vector.broadcast %broadcast_in_dim3A_149 : vector<1x1xf32> to vector<8x1024xf32>
      %eq3A_150 = arith.cmpf oeq, %min3A, %eq3A : vector<8x1024xf32>
      %jit3A = arith.constant 1.000000e+09 : f32
      %broadcast_in_dim3A_151 = vector.broadcast %jit3A : f32 to vector<8x1024xf32>
      %select_n3A = arith.select %eq3A_150, %convert_element_type3A, %broadcast_in_dim3A_151 : vector<8x1024xi1>, vector<8x1024xf32>
      %reduce_min3A = arith.constant dense<0x7F800000> : vector<8xf32>
      %reduce_min3A_152 = vector.multi_reduction <minimumf>, %select_n3A, %reduce_min3A [1] : vector<8x1024xf32> to vector<8xf32>
      %broadcast_in_dim3A_153 = vector.shape_cast %reduce_min3A_152 : vector<8xf32> to vector<8x1xf32>
      %reduce_min3A_154 = vector.shape_cast %broadcast_in_dim3A_153 : vector<8x1xf32> to vector<1x8x1xf32>
      %reduce_min3A_155 = arith.constant dense<0x7F800000> : vector<1xf32>
      %reduce_min3A_156 = vector.multi_reduction <minimumf>, %reduce_min3A_154, %reduce_min3A_155 [1, 2] : vector<1x8x1xf32> to vector<1xf32>
      %reduce_min3A_157 = vector.shape_cast %reduce_min3A_156 : vector<1xf32> to vector<1x1x1xf32>
      %reduce_min3A_158 = vector.extract %reduce_min3A_157[0, 0, 0] : f32 from vector<1x1x1xf32>
      %convert_element_type3A_159 = arith.fptosi %reduce_min3A_158 : f32 to i32
      %get3A_160 = arith.constant 1 : index
      %get3A_161 = arith.constant 0 : index
      %get3A_162 = arith.index_cast %scan3A_88 : i32 to index
      %get3A_163 = memref.load %arg2[%get3A_160, %get3A_161, %get3A_162] : memref<4x1x24576xf32, #tpu.memory_space<smem>>
      %add3A_164 = arith.constant 8192 : i32
      %add3A_165 = arith.addi %add3A_164, %scan3A_88 : i32
      %get3A_166 = arith.constant 1 : index
      %get3A_167 = arith.constant 0 : index
      %get3A_168 = arith.index_cast %add3A_165 : i32 to index
      %get3A_169 = memref.load %arg2[%get3A_166, %get3A_167, %get3A_168] : memref<4x1x24576xf32, #tpu.memory_space<smem>>
      %add3A_170 = arith.constant 16384 : i32
      %add3A_171 = arith.addi %add3A_170, %scan3A_88 : i32
      %get3A_172 = arith.constant 1 : index
      %get3A_173 = arith.constant 0 : index
      %get3A_174 = arith.index_cast %add3A_171 : i32 to index
      %get3A_175 = memref.load %arg2[%get3A_172, %get3A_173, %get3A_174] : memref<4x1x24576xf32, #tpu.memory_space<smem>>
      %reshape3A_176 = vector.broadcast %get3A_163 : f32 to vector<1x1xf32>
      %swap3A_177 = arith.constant 1 : index
      %swap3A_178 = arith.index_cast %scan3A_84 : i32 to index
      %swap3A_179 = arith.constant 0 : index
      %swap3A_180 = vector.load %arg3[%swap3A_177, %swap3A_178, %swap3A_179] : memref<4x512x8xf32, #tpu.memory_space<vmem>>, vector<1x1x1xf32>
      %swap3A_181 = vector.shape_cast %swap3A_180 : vector<1x1x1xf32> to vector<1x1xf32>
      %swap3A_182 = vector.shape_cast %reshape3A_176 : vector<1x1xf32> to vector<1x1x1xf32>
      tpu.vector_store %arg3[%swap3A_177, %swap3A_178, %swap3A_179], %swap3A_182 {strides = array<i32>} : memref<4x512x8xf32, #tpu.memory_space<vmem>>, vector<1x1x1xf32>,
      %reshape3A_183 = vector.broadcast %get3A_169 : f32 to vector<1x1xf32>
      %swap3A_184 = arith.constant 1 : index
      %swap3A_185 = arith.index_cast %scan3A_84 : i32 to index
      %swap3A_186 = arith.constant 1 : index
      %swap3A_187 = vector.load %arg3[%swap3A_184, %swap3A_185, %swap3A_186] : memref<4x512x8xf32, #tpu.memory_space<vmem>>, vector<1x1x1xf32>
      %swap3A_188 = vector.shape_cast %swap3A_187 : vector<1x1x1xf32> to vector<1x1xf32>
      %swap3A_189 = vector.shape_cast %reshape3A_183 : vector<1x1xf32> to vector<1x1x1xf32>
      tpu.vector_store %arg3[%swap3A_184, %swap3A_185, %swap3A_186], %swap3A_189 {strides = array<i32>} : memref<4x512x8xf32, #tpu.memory_space<vmem>>, vector<1x1x1xf32>,
      %reshape3A_190 = vector.broadcast %get3A_175 : f32 to vector<1x1xf32>
      %swap3A_191 = arith.constant 1 : index
      %swap3A_192 = arith.index_cast %scan3A_84 : i32 to index
      %swap3A_193 = arith.constant 2 : index
      %swap3A_194 = vector.load %arg3[%swap3A_191, %swap3A_192, %swap3A_193] : memref<4x512x8xf32, #tpu.memory_space<vmem>>, vector<1x1x1xf32>
      %swap3A_195 = vector.shape_cast %swap3A_194 : vector<1x1x1xf32> to vector<1x1xf32>
      %swap3A_196 = vector.shape_cast %reshape3A_190 : vector<1x1xf32> to vector<1x1x1xf32>
      tpu.vector_store %arg3[%swap3A_191, %swap3A_192, %swap3A_193], %swap3A_196 {strides = array<i32>} : memref<4x512x8xf32, #tpu.memory_space<vmem>>, vector<1x1x1xf32>,
      %convert_element_type3A_197 = arith.sitofp %scan3A_88 : i32 to f32
      %reshape3A_198 = vector.broadcast %convert_element_type3A_197 : f32 to vector<1x1xf32>
      %swap3A_199 = arith.constant 1 : index
      %swap3A_200 = arith.index_cast %scan3A_84 : i32 to index
      %swap3A_201 = arith.constant 3 : index
      %swap3A_202 = vector.load %arg3[%swap3A_199, %swap3A_200, %swap3A_201] : memref<4x512x8xf32, #tpu.memory_space<vmem>>, vector<1x1x1xf32>
      %swap3A_203 = vector.shape_cast %swap3A_202 : vector<1x1x1xf32> to vector<1x1xf32>
      %swap3A_204 = vector.shape_cast %reshape3A_198 : vector<1x1xf32> to vector<1x1x1xf32>
      tpu.vector_store %arg3[%swap3A_199, %swap3A_200, %swap3A_201], %swap3A_204 {strides = array<i32>} : memref<4x512x8xf32, #tpu.memory_space<vmem>>, vector<1x1x1xf32>,
      %sub3A_205 = vector.broadcast %get3A_163 : f32 to vector<8x1024xf32>
      %sub3A_206 = arith.subf %get3A_22, %sub3A_205 : vector<8x1024xf32>
      %integer_pow3A_207 = arith.mulf %sub3A_206, %sub3A_206 : vector<8x1024xf32>
      %sub3A_208 = vector.broadcast %get3A_169 : f32 to vector<8x1024xf32>
      %sub3A_209 = arith.subf %get3A_28, %sub3A_208 : vector<8x1024xf32>
      %integer_pow3A_210 = arith.mulf %sub3A_209, %sub3A_209 : vector<8x1024xf32>
      %add3A_211 = arith.addf %integer_pow3A_207, %integer_pow3A_210 : vector<8x1024xf32>
      %sub3A_212 = vector.broadcast %get3A_175 : f32 to vector<8x1024xf32>
      %sub3A_213 = arith.subf %get3A_34, %sub3A_212 : vector<8x1024xf32>
      %integer_pow3A_214 = arith.mulf %sub3A_213, %sub3A_213 : vector<8x1024xf32>
      %add3A_215 = arith.addf %add3A_211, %integer_pow3A_214 : vector<8x1024xf32>
      %min3A_216 = arith.minimumf %scan3A_87, %add3A_215 : vector<8x1024xf32>
      %reduce_max3A_217 = arith.constant dense<0xFF800000> : vector<8xf32>
      %reduce_max3A_218 = vector.multi_reduction <maximumf>, %min3A_216, %reduce_max3A_217 [1] : vector<8x1024xf32> to vector<8xf32>
      %broadcast_in_dim3A_219 = vector.shape_cast %reduce_max3A_218 : vector<8xf32> to vector<8x1xf32>
      %reduce_max3A_220 = arith.constant dense<0xFF800000> : vector<1xf32>
      %reduce_max3A_221 = vector.multi_reduction <maximumf>, %broadcast_in_dim3A_219, %reduce_max3A_220 [0] : vector<8x1xf32> to vector<1xf32>
      %broadcast_in_dim3A_222 = vector.shape_cast %reduce_max3A_221 : vector<1xf32> to vector<1x1xf32>
      %eq3A_223 = vector.broadcast %broadcast_in_dim3A_222 : vector<1x1xf32> to vector<8x1024xf32>
      %eq3A_224 = arith.cmpf oeq, %min3A_216, %eq3A_223 : vector<8x1024xf32>
      %jit3A_225 = arith.constant 1.000000e+09 : f32
      %broadcast_in_dim3A_226 = vector.broadcast %jit3A_225 : f32 to vector<8x1024xf32>
      %select_n3A_227 = arith.select %eq3A_224, %convert_element_type3A, %broadcast_in_dim3A_226 : vector<8x1024xi1>, vector<8x1024xf32>
      %reduce_min3A_228 = arith.constant dense<0x7F800000> : vector<8xf32>
      %reduce_min3A_229 = vector.multi_reduction <minimumf>, %select_n3A_227, %reduce_min3A_228 [1] : vector<8x1024xf32> to vector<8xf32>
      %broadcast_in_dim3A_230 = vector.shape_cast %reduce_min3A_229 : vector<8xf32> to vector<8x1xf32>
      %reduce_min3A_231 = vector.shape_cast %broadcast_in_dim3A_230 : vector<8x1xf32> to vector<1x8x1xf32>
      %reduce_min3A_232 = arith.constant dense<0x7F800000> : vector<1xf32>
      %reduce_min3A_233 = vector.multi_reduction <minimumf>, %reduce_min3A_231, %reduce_min3A_232 [1, 2] : vector<1x8x1xf32> to vector<1xf32>
      %reduce_min3A_234 = vector.shape_cast %reduce_min3A_233 : vector<1xf32> to vector<1x1x1xf32>
      %reduce_min3A_235 = vector.extract %reduce_min3A_234[0, 0, 0] : f32 from vector<1x1x1xf32>
      %convert_element_type3A_236 = arith.fptosi %reduce_min3A_235 : f32 to i32
      %get3A_237 = arith.constant 2 : index
      %get3A_238 = arith.constant 0 : index
      %get3A_239 = arith.index_cast %scan3A_90 : i32 to index
      %get3A_240 = memref.load %arg2[%get3A_237, %get3A_238, %get3A_239] : memref<4x1x24576xf32, #tpu.memory_space<smem>>
      %add3A_241 = arith.constant 8192 : i32
      %add3A_242 = arith.addi %add3A_241, %scan3A_90 : i32
      %get3A_243 = arith.constant 2 : index
      %get3A_244 = arith.constant 0 : index
      %get3A_245 = arith.index_cast %add3A_242 : i32 to index
      %get3A_246 = memref.load %arg2[%get3A_243, %get3A_244, %get3A_245] : memref<4x1x24576xf32, #tpu.memory_space<smem>>
      %add3A_247 = arith.constant 16384 : i32
      %add3A_248 = arith.addi %add3A_247, %scan3A_90 : i32
      %get3A_249 = arith.constant 2 : index
      %get3A_250 = arith.constant 0 : index
      %get3A_251 = arith.index_cast %add3A_248 : i32 to index
      %get3A_252 = memref.load %arg2[%get3A_249, %get3A_250, %get3A_251] : memref<4x1x24576xf32, #tpu.memory_space<smem>>
      %reshape3A_253 = vector.broadcast %get3A_240 : f32 to vector<1x1xf32>
      %swap3A_254 = arith.constant 2 : index
      %swap3A_255 = arith.index_cast %scan3A_84 : i32 to index
      %swap3A_256 = arith.constant 0 : index
      %swap3A_257 = vector.load %arg3[%swap3A_254, %swap3A_255, %swap3A_256] : memref<4x512x8xf32, #tpu.memory_space<vmem>>, vector<1x1x1xf32>
      %swap3A_258 = vector.shape_cast %swap3A_257 : vector<1x1x1xf32> to vector<1x1xf32>
      %swap3A_259 = vector.shape_cast %reshape3A_253 : vector<1x1xf32> to vector<1x1x1xf32>
      tpu.vector_store %arg3[%swap3A_254, %swap3A_255, %swap3A_256], %swap3A_259 {strides = array<i32>} : memref<4x512x8xf32, #tpu.memory_space<vmem>>, vector<1x1x1xf32>,
      %reshape3A_260 = vector.broadcast %get3A_246 : f32 to vector<1x1xf32>
      %swap3A_261 = arith.constant 2 : index
      %swap3A_262 = arith.index_cast %scan3A_84 : i32 to index
      %swap3A_263 = arith.constant 1 : index
      %swap3A_264 = vector.load %arg3[%swap3A_261, %swap3A_262, %swap3A_263] : memref<4x512x8xf32, #tpu.memory_space<vmem>>, vector<1x1x1xf32>
      %swap3A_265 = vector.shape_cast %swap3A_264 : vector<1x1x1xf32> to vector<1x1xf32>
      %swap3A_266 = vector.shape_cast %reshape3A_260 : vector<1x1xf32> to vector<1x1x1xf32>
      tpu.vector_store %arg3[%swap3A_261, %swap3A_262, %swap3A_263], %swap3A_266 {strides = array<i32>} : memref<4x512x8xf32, #tpu.memory_space<vmem>>, vector<1x1x1xf32>,
      %reshape3A_267 = vector.broadcast %get3A_252 : f32 to vector<1x1xf32>
      %swap3A_268 = arith.constant 2 : index
      %swap3A_269 = arith.index_cast %scan3A_84 : i32 to index
      %swap3A_270 = arith.constant 2 : index
      %swap3A_271 = vector.load %arg3[%swap3A_268, %swap3A_269, %swap3A_270] : memref<4x512x8xf32, #tpu.memory_space<vmem>>, vector<1x1x1xf32>
      %swap3A_272 = vector.shape_cast %swap3A_271 : vector<1x1x1xf32> to vector<1x1xf32>
      %swap3A_273 = vector.shape_cast %reshape3A_267 : vector<1x1xf32> to vector<1x1x1xf32>
      tpu.vector_store %arg3[%swap3A_268, %swap3A_269, %swap3A_270], %swap3A_273 {strides = array<i32>} : memref<4x512x8xf32, #tpu.memory_space<vmem>>, vector<1x1x1xf32>,
      %convert_element_type3A_274 = arith.sitofp %scan3A_90 : i32 to f32
      %reshape3A_275 = vector.broadcast %convert_element_type3A_274 : f32 to vector<1x1xf32>
      %swap3A_276 = arith.constant 2 : index
      %swap3A_277 = arith.index_cast %scan3A_84 : i32 to index
      %swap3A_278 = arith.constant 3 : index
      %swap3A_279 = vector.load %arg3[%swap3A_276, %swap3A_277, %swap3A_278] : memref<4x512x8xf32, #tpu.memory_space<vmem>>, vector<1x1x1xf32>
      %swap3A_280 = vector.shape_cast %swap3A_279 : vector<1x1x1xf32> to vector<1x1xf32>
      %swap3A_281 = vector.shape_cast %reshape3A_275 : vector<1x1xf32> to vector<1x1x1xf32>
      tpu.vector_store %arg3[%swap3A_276, %swap3A_277, %swap3A_278], %swap3A_281 {strides = array<i32>} : memref<4x512x8xf32, #tpu.memory_space<vmem>>, vector<1x1x1xf32>,
      %sub3A_282 = vector.broadcast %get3A_240 : f32 to vector<8x1024xf32>
      %sub3A_283 = arith.subf %get3A_40, %sub3A_282 : vector<8x1024xf32>
      %integer_pow3A_284 = arith.mulf %sub3A_283, %sub3A_283 : vector<8x1024xf32>
      %sub3A_285 = vector.broadcast %get3A_246 : f32 to vector<8x1024xf32>
      %sub3A_286 = arith.subf %get3A_46, %sub3A_285 : vector<8x1024xf32>
      %integer_pow3A_287 = arith.mulf %sub3A_286, %sub3A_286 : vector<8x1024xf32>
      %add3A_288 = arith.addf %integer_pow3A_284, %integer_pow3A_287 : vector<8x1024xf32>
      %sub3A_289 = vector.broadcast %get3A_252 : f32 to vector<8x1024xf32>
      %sub3A_290 = arith.subf %get3A_52, %sub3A_289 : vector<8x1024xf32>
      %integer_pow3A_291 = arith.mulf %sub3A_290, %sub3A_290 : vector<8x1024xf32>
      %add3A_292 = arith.addf %add3A_288, %integer_pow3A_291 : vector<8x1024xf32>
      %min3A_293 = arith.minimumf %scan3A_89, %add3A_292 : vector<8x1024xf32>
      %reduce_max3A_294 = arith.constant dense<0xFF800000> : vector<8xf32>
      %reduce_max3A_295 = vector.multi_reduction <maximumf>, %min3A_293, %reduce_max3A_294 [1] : vector<8x1024xf32> to vector<8xf32>
      %broadcast_in_dim3A_296 = vector.shape_cast %reduce_max3A_295 : vector<8xf32> to vector<8x1xf32>
      %reduce_max3A_297 = arith.constant dense<0xFF800000> : vector<1xf32>
      %reduce_max3A_298 = vector.multi_reduction <maximumf>, %broadcast_in_dim3A_296, %reduce_max3A_297 [0] : vector<8x1xf32> to vector<1xf32>
      %broadcast_in_dim3A_299 = vector.shape_cast %reduce_max3A_298 : vector<1xf32> to vector<1x1xf32>
      %eq3A_300 = vector.broadcast %broadcast_in_dim3A_299 : vector<1x1xf32> to vector<8x1024xf32>
      %eq3A_301 = arith.cmpf oeq, %min3A_293, %eq3A_300 : vector<8x1024xf32>
      %jit3A_302 = arith.constant 1.000000e+09 : f32
      %broadcast_in_dim3A_303 = vector.broadcast %jit3A_302 : f32 to vector<8x1024xf32>
      %select_n3A_304 = arith.select %eq3A_301, %convert_element_type3A, %broadcast_in_dim3A_303 : vector<8x1024xi1>, vector<8x1024xf32>
      %reduce_min3A_305 = arith.constant dense<0x7F800000> : vector<8xf32>
      %reduce_min3A_306 = vector.multi_reduction <minimumf>, %select_n3A_304, %reduce_min3A_305 [1] : vector<8x1024xf32> to vector<8xf32>
      %broadcast_in_dim3A_307 = vector.shape_cast %reduce_min3A_306 : vector<8xf32> to vector<8x1xf32>
      %reduce_min3A_308 = vector.shape_cast %broadcast_in_dim3A_307 : vector<8x1xf32> to vector<1x8x1xf32>
      %reduce_min3A_309 = arith.constant dense<0x7F800000> : vector<1xf32>
      %reduce_min3A_310 = vector.multi_reduction <minimumf>, %reduce_min3A_308, %reduce_min3A_309 [1, 2] : vector<1x8x1xf32> to vector<1xf32>
      %reduce_min3A_311 = vector.shape_cast %reduce_min3A_310 : vector<1xf32> to vector<1x1x1xf32>
      %reduce_min3A_312 = vector.extract %reduce_min3A_311[0, 0, 0] : f32 from vector<1x1x1xf32>
      %convert_element_type3A_313 = arith.fptosi %reduce_min3A_312 : f32 to i32
      %get3A_314 = arith.constant 3 : index
      %get3A_315 = arith.constant 0 : index
      %get3A_316 = arith.index_cast %scan3A_92 : i32 to index
      %get3A_317 = memref.load %arg2[%get3A_314, %get3A_315, %get3A_316] : memref<4x1x24576xf32, #tpu.memory_space<smem>>
      %add3A_318 = arith.constant 8192 : i32
      %add3A_319 = arith.addi %add3A_318, %scan3A_92 : i32
      %get3A_320 = arith.constant 3 : index
      %get3A_321 = arith.constant 0 : index
      %get3A_322 = arith.index_cast %add3A_319 : i32 to index
      %get3A_323 = memref.load %arg2[%get3A_320, %get3A_321, %get3A_322] : memref<4x1x24576xf32, #tpu.memory_space<smem>>
      %add3A_324 = arith.constant 16384 : i32
      %add3A_325 = arith.addi %add3A_324, %scan3A_92 : i32
      %get3A_326 = arith.constant 3 : index
      %get3A_327 = arith.constant 0 : index
      %get3A_328 = arith.index_cast %add3A_325 : i32 to index
      %get3A_329 = memref.load %arg2[%get3A_326, %get3A_327, %get3A_328] : memref<4x1x24576xf32, #tpu.memory_space<smem>>
      %reshape3A_330 = vector.broadcast %get3A_317 : f32 to vector<1x1xf32>
      %swap3A_331 = arith.constant 3 : index
      %swap3A_332 = arith.index_cast %scan3A_84 : i32 to index
      %swap3A_333 = arith.constant 0 : index
      %swap3A_334 = vector.load %arg3[%swap3A_331, %swap3A_332, %swap3A_333] : memref<4x512x8xf32, #tpu.memory_space<vmem>>, vector<1x1x1xf32>
      %swap3A_335 = vector.shape_cast %swap3A_334 : vector<1x1x1xf32> to vector<1x1xf32>
      %swap3A_336 = vector.shape_cast %reshape3A_330 : vector<1x1xf32> to vector<1x1x1xf32>
      tpu.vector_store %arg3[%swap3A_331, %swap3A_332, %swap3A_333], %swap3A_336 {strides = array<i32>} : memref<4x512x8xf32, #tpu.memory_space<vmem>>, vector<1x1x1xf32>,
      %reshape3A_337 = vector.broadcast %get3A_323 : f32 to vector<1x1xf32>
      %swap3A_338 = arith.constant 3 : index
      %swap3A_339 = arith.index_cast %scan3A_84 : i32 to index
      %swap3A_340 = arith.constant 1 : index
      %swap3A_341 = vector.load %arg3[%swap3A_338, %swap3A_339, %swap3A_340] : memref<4x512x8xf32, #tpu.memory_space<vmem>>, vector<1x1x1xf32>
      %swap3A_342 = vector.shape_cast %swap3A_341 : vector<1x1x1xf32> to vector<1x1xf32>
      %swap3A_343 = vector.shape_cast %reshape3A_337 : vector<1x1xf32> to vector<1x1x1xf32>
      tpu.vector_store %arg3[%swap3A_338, %swap3A_339, %swap3A_340], %swap3A_343 {strides = array<i32>} : memref<4x512x8xf32, #tpu.memory_space<vmem>>, vector<1x1x1xf32>,
      %reshape3A_344 = vector.broadcast %get3A_329 : f32 to vector<1x1xf32>
      %swap3A_345 = arith.constant 3 : index
      %swap3A_346 = arith.index_cast %scan3A_84 : i32 to index
      %swap3A_347 = arith.constant 2 : index
      %swap3A_348 = vector.load %arg3[%swap3A_345, %swap3A_346, %swap3A_347] : memref<4x512x8xf32, #tpu.memory_space<vmem>>, vector<1x1x1xf32>
      %swap3A_349 = vector.shape_cast %swap3A_348 : vector<1x1x1xf32> to vector<1x1xf32>
      %swap3A_350 = vector.shape_cast %reshape3A_344 : vector<1x1xf32> to vector<1x1x1xf32>
      tpu.vector_store %arg3[%swap3A_345, %swap3A_346, %swap3A_347], %swap3A_350 {strides = array<i32>} : memref<4x512x8xf32, #tpu.memory_space<vmem>>, vector<1x1x1xf32>,
      %convert_element_type3A_351 = arith.sitofp %scan3A_92 : i32 to f32
      %reshape3A_352 = vector.broadcast %convert_element_type3A_351 : f32 to vector<1x1xf32>
      %swap3A_353 = arith.constant 3 : index
      %swap3A_354 = arith.index_cast %scan3A_84 : i32 to index
      %swap3A_355 = arith.constant 3 : index
      %swap3A_356 = vector.load %arg3[%swap3A_353, %swap3A_354, %swap3A_355] : memref<4x512x8xf32, #tpu.memory_space<vmem>>, vector<1x1x1xf32>
      %swap3A_357 = vector.shape_cast %swap3A_356 : vector<1x1x1xf32> to vector<1x1xf32>
      %swap3A_358 = vector.shape_cast %reshape3A_352 : vector<1x1xf32> to vector<1x1x1xf32>
      tpu.vector_store %arg3[%swap3A_353, %swap3A_354, %swap3A_355], %swap3A_358 {strides = array<i32>} : memref<4x512x8xf32, #tpu.memory_space<vmem>>, vector<1x1x1xf32>,
      %sub3A_359 = vector.broadcast %get3A_317 : f32 to vector<8x1024xf32>
      %sub3A_360 = arith.subf %get3A_58, %sub3A_359 : vector<8x1024xf32>
      %integer_pow3A_361 = arith.mulf %sub3A_360, %sub3A_360 : vector<8x1024xf32>
      %sub3A_362 = vector.broadcast %get3A_323 : f32 to vector<8x1024xf32>
      %sub3A_363 = arith.subf %get3A_64, %sub3A_362 : vector<8x1024xf32>
      %integer_pow3A_364 = arith.mulf %sub3A_363, %sub3A_363 : vector<8x1024xf32>
      %add3A_365 = arith.addf %integer_pow3A_361, %integer_pow3A_364 : vector<8x1024xf32>
      %sub3A_366 = vector.broadcast %get3A_329 : f32 to vector<8x1024xf32>
      %sub3A_367 = arith.subf %get3A_70, %sub3A_366 : vector<8x1024xf32>
      %integer_pow3A_368 = arith.mulf %sub3A_367, %sub3A_367 : vector<8x1024xf32>
      %add3A_369 = arith.addf %add3A_365, %integer_pow3A_368 : vector<8x1024xf32>
      %min3A_370 = arith.minimumf %scan3A_91, %add3A_369 : vector<8x1024xf32>
      %reduce_max3A_371 = arith.constant dense<0xFF800000> : vector<8xf32>
      %reduce_max3A_372 = vector.multi_reduction <maximumf>, %min3A_370, %reduce_max3A_371 [1] : vector<8x1024xf32> to vector<8xf32>
      %broadcast_in_dim3A_373 = vector.shape_cast %reduce_max3A_372 : vector<8xf32> to vector<8x1xf32>
      %reduce_max3A_374 = arith.constant dense<0xFF800000> : vector<1xf32>
      %reduce_max3A_375 = vector.multi_reduction <maximumf>, %broadcast_in_dim3A_373, %reduce_max3A_374 [0] : vector<8x1xf32> to vector<1xf32>
      %broadcast_in_dim3A_376 = vector.shape_cast %reduce_max3A_375 : vector<1xf32> to vector<1x1xf32>
      %eq3A_377 = vector.broadcast %broadcast_in_dim3A_376 : vector<1x1xf32> to vector<8x1024xf32>
      %eq3A_378 = arith.cmpf oeq, %min3A_370, %eq3A_377 : vector<8x1024xf32>
      %jit3A_379 = arith.constant 1.000000e+09 : f32
      %broadcast_in_dim3A_380 = vector.broadcast %jit3A_379 : f32 to vector<8x1024xf32>
      %select_n3A_381 = arith.select %eq3A_378, %convert_element_type3A, %broadcast_in_dim3A_380 : vector<8x1024xi1>, vector<8x1024xf32>
      %reduce_min3A_382 = arith.constant dense<0x7F800000> : vector<8xf32>
      %reduce_min3A_383 = vector.multi_reduction <minimumf>, %select_n3A_381, %reduce_min3A_382 [1] : vector<8x1024xf32> to vector<8xf32>
      %broadcast_in_dim3A_384 = vector.shape_cast %reduce_min3A_383 : vector<8xf32> to vector<8x1xf32>
      %reduce_min3A_385 = vector.shape_cast %broadcast_in_dim3A_384 : vector<8x1xf32> to vector<1x8x1xf32>
      %reduce_min3A_386 = arith.constant dense<0x7F800000> : vector<1xf32>
      %reduce_min3A_387 = vector.multi_reduction <minimumf>, %reduce_min3A_385, %reduce_min3A_386 [1, 2] : vector<1x8x1xf32> to vector<1xf32>
      %reduce_min3A_388 = vector.shape_cast %reduce_min3A_387 : vector<1xf32> to vector<1x1x1xf32>
      %reduce_min3A_389 = vector.extract %reduce_min3A_388[0, 0, 0] : f32 from vector<1x1x1xf32>
      %convert_element_type3A_390 = arith.fptosi %reduce_min3A_389 : f32 to i32
      scf.yield %min3A, %convert_element_type3A_159, %min3A_216, %convert_element_type3A_236, %min3A_293, %convert_element_type3A_313, %min3A_370, %convert_element_type3A_390 : vector<8x1024xf32>, i32, vector<8x1024xf32>, i32, vector<8x1024xf32>, i32, vector<8x1024xf32>, i32
    }
    %scan3A_83 = arith.constant 512 : i32
    return
  }
  func.func @transform_0(%arg0: i32) -> (i32, i32, i32, i32) {
    %c0_i32 = arith.constant 0 : i32
    %c0_i32_0 = arith.constant 0 : i32
    %c0_i32_1 = arith.constant 0 : i32
    %c0_i32_2 = arith.constant 0 : i32
    %c0_i32_3 = arith.constant 0 : i32
    return %c0_i32, %c0_i32_0, %c0_i32_1, %c0_i32_2 : i32, i32, i32, i32
  }
  func.func @transform_1(%arg0: i32) -> (i32, i32, i32) {
    %c0_i32 = arith.constant 0 : i32
    %c0_i32_0 = arith.constant 0 : i32
    %c0_i32_1 = arith.constant 0 : i32
    %c0_i32_2 = arith.constant 0 : i32
    return %c0_i32, %c0_i32_0, %c0_i32_1 : i32, i32, i32
  }
  func.func @transform_2(%arg0: i32) -> (i32, i32, i32) {
    %c0_i32 = arith.constant 0 : i32
    %c0_i32_0 = arith.constant 0 : i32
    %c0_i32_1 = arith.constant 0 : i32
    %c0_i32_2 = arith.constant 0 : i32
    return %c0_i32, %c0_i32_0, %c0_i32_1 : i32, i32, i32
  }
}

module attributes {stable_mosaic.version = 14 : i64} {
  func.func @_knn_body(%arg0: i32, %arg1: i32, %arg2: memref<1x3x1x8192xf32, #tpu.memory_space<vmem>>, %arg3: memref<1x128x8xf32, #tpu.memory_space<vmem>>, %arg4: memref<1x128x16xi32, #tpu.memory_space<vmem>>) attributes {dimension_semantics = [#tpu.dimension_semantics<parallel>, #tpu.dimension_semantics<parallel>], iteration_bounds = array<i64: 4, 4>, scalar_prefetch = 0 : i64, scratch_operands = 0 : i64, tpu.core_type = #tpu.core_type<tc>, window_params = [{transform_indices = @transform_0, window_bounds = array<i64: 1, 3, 1, 8192>}, {transform_indices = @transform_1, window_bounds = array<i64: 1, 128, 8>}, {transform_indices = @transform_2, window_bounds = array<i64: 1, 128, 16>}]} {
    %get3A = arith.constant 0 : index
    %get3A_0 = arith.constant 0 : index
    %get3A_1 = arith.constant 0 : index
    %get3A_2 = arith.constant 0 : index
    %get3A_3 = vector.load %arg2[%get3A, %get3A_0, %get3A_1, %get3A_2] : memref<1x3x1x8192xf32, #tpu.memory_space<vmem>>, vector<1x1x1x8192xf32>
    %get3A_4 = vector.shape_cast %get3A_3 : vector<1x1x1x8192xf32> to vector<1x8192xf32>
    %get3A_5 = arith.constant 0 : index
    %get3A_6 = arith.constant 1 : index
    %get3A_7 = arith.constant 0 : index
    %get3A_8 = arith.constant 0 : index
    %get3A_9 = vector.load %arg2[%get3A_5, %get3A_6, %get3A_7, %get3A_8] : memref<1x3x1x8192xf32, #tpu.memory_space<vmem>>, vector<1x1x1x8192xf32>
    %get3A_10 = vector.shape_cast %get3A_9 : vector<1x1x1x8192xf32> to vector<1x8192xf32>
    %get3A_11 = arith.constant 0 : index
    %get3A_12 = arith.constant 2 : index
    %get3A_13 = arith.constant 0 : index
    %get3A_14 = arith.constant 0 : index
    %get3A_15 = vector.load %arg2[%get3A_11, %get3A_12, %get3A_13, %get3A_14] : memref<1x3x1x8192xf32, #tpu.memory_space<vmem>>, vector<1x1x1x8192xf32>
    %get3A_16 = vector.shape_cast %get3A_15 : vector<1x1x1x8192xf32> to vector<1x8192xf32>
    %iota3A = tpu.iota {dimensions = array<i32: 1>} : vector<128x8192xi32>
    %convert_element_type3A = arith.sitofp %iota3A : vector<128x8192xi32> to vector<128x8192xf32>
    %iota3A_17 = tpu.iota {dimensions = array<i32: 1>} : vector<128x16xi32>
    %mul3A = arith.constant 8192 : i32
    %mul3A_18 = arith.muli %arg0, %mul3A : i32
    %get3A_19 = arith.constant 0 : index
    %get3A_20 = arith.constant 0 : index
    %get3A_21 = arith.constant 0 : index
    %get3A_22 = vector.load %arg3[%get3A_19, %get3A_20, %get3A_21] : memref<1x128x8xf32, #tpu.memory_space<vmem>>, vector<1x128x1xf32>
    %get3A_23 = vector.shape_cast %get3A_22 : vector<1x128x1xf32> to vector<128x1xf32>
    %get3A_24 = arith.constant 0 : index
    %get3A_25 = arith.constant 0 : index
    %get3A_26 = arith.constant 1 : index
    %get3A_27 = vector.load %arg3[%get3A_24, %get3A_25, %get3A_26] : memref<1x128x8xf32, #tpu.memory_space<vmem>>, vector<1x128x1xf32>
    %get3A_28 = vector.shape_cast %get3A_27 : vector<1x128x1xf32> to vector<128x1xf32>
    %get3A_29 = arith.constant 0 : index
    %get3A_30 = arith.constant 0 : index
    %get3A_31 = arith.constant 2 : index
    %get3A_32 = vector.load %arg3[%get3A_29, %get3A_30, %get3A_31] : memref<1x128x8xf32, #tpu.memory_space<vmem>>, vector<1x128x1xf32>
    %get3A_33 = vector.shape_cast %get3A_32 : vector<1x128x1xf32> to vector<128x1xf32>
    %get3A_34 = arith.constant 0 : index
    %get3A_35 = arith.constant 0 : index
    %get3A_36 = arith.constant 3 : index
    %get3A_37 = vector.load %arg3[%get3A_34, %get3A_35, %get3A_36] : memref<1x128x8xf32, #tpu.memory_space<vmem>>, vector<1x128x1xf32>
    %get3A_38 = vector.shape_cast %get3A_37 : vector<1x128x1xf32> to vector<128x1xf32>
    %sub3A = vector.broadcast %get3A_23 : vector<128x1xf32> to vector<128x8192xf32>
    %sub3A_39 = vector.broadcast %get3A_4 : vector<1x8192xf32> to vector<128x8192xf32>
    %sub3A_40 = arith.subf %sub3A, %sub3A_39 : vector<128x8192xf32>
    %integer_pow3A = arith.mulf %sub3A_40, %sub3A_40 : vector<128x8192xf32>
    %sub3A_41 = vector.broadcast %get3A_28 : vector<128x1xf32> to vector<128x8192xf32>
    %sub3A_42 = vector.broadcast %get3A_10 : vector<1x8192xf32> to vector<128x8192xf32>
    %sub3A_43 = arith.subf %sub3A_41, %sub3A_42 : vector<128x8192xf32>
    %integer_pow3A_44 = arith.mulf %sub3A_43, %sub3A_43 : vector<128x8192xf32>
    %add3A = arith.addf %integer_pow3A, %integer_pow3A_44 : vector<128x8192xf32>
    %sub3A_45 = vector.broadcast %get3A_33 : vector<128x1xf32> to vector<128x8192xf32>
    %sub3A_46 = vector.broadcast %get3A_16 : vector<1x8192xf32> to vector<128x8192xf32>
    %sub3A_47 = arith.subf %sub3A_45, %sub3A_46 : vector<128x8192xf32>
    %integer_pow3A_48 = arith.mulf %sub3A_47, %sub3A_47 : vector<128x8192xf32>
    %add3A_49 = arith.addf %add3A, %integer_pow3A_48 : vector<128x8192xf32>
    %eq3A = arith.constant 0 : i32
    %eq3A_50 = vector.broadcast %eq3A : i32 to vector<128x16xi32>
    %eq3A_51 = arith.cmpi eq, %iota3A_17, %eq3A_50 : vector<128x16xi32>
    %convert_element_type3A_52 = arith.fptosi %get3A_38 : vector<128x1xf32> to vector<128x1xi32>
    %add3A_53 = vector.broadcast %mul3A_18 : i32 to vector<128x1xi32>
    %add3A_54 = arith.addi %convert_element_type3A_52, %add3A_53 : vector<128x1xi32>
    %jit3A = arith.constant 0 : i32
    %broadcast_in_dim3A = vector.shape_cast %add3A_54 : vector<128x1xi32> to vector<128x1xi32>
    %broadcast_in_dim3A_55 = vector.broadcast %broadcast_in_dim3A : vector<128x1xi32> to vector<128x16xi32>
    %broadcast_in_dim3A_56 = vector.broadcast %jit3A : i32 to vector<128x16xi32>
    %select_n3A = arith.select %eq3A_51, %broadcast_in_dim3A_55, %broadcast_in_dim3A_56 : vector<128x16xi1>, vector<128x16xi32>
    %eq3A_57 = vector.broadcast %get3A_38 : vector<128x1xf32> to vector<128x8192xf32>
    %eq3A_58 = arith.cmpf oeq, %convert_element_type3A, %eq3A_57 : vector<128x8192xf32>
    %jit3A_59 = arith.constant 0x7F800000 : f32
    %broadcast_in_dim3A_60 = vector.broadcast %jit3A_59 : f32 to vector<128x8192xf32>
    %select_n3A_61 = arith.select %eq3A_58, %broadcast_in_dim3A_60, %add3A_49 : vector<128x8192xi1>, vector<128x8192xf32>
    %scan3A = arith.constant 1 : i32
    %scan3A_62 = arith.constant 15 : i32
    %scan3A_63 = arith.addi %scan3A, %scan3A_62 : i32
    %scan3A_64 = arith.constant 1 : i32
    %scan3A_65:2 = scf.for %scan3A_72 = %scan3A to %scan3A_63 step %scan3A_64 iter_args(%scan3A_73 = %select_n3A_61, %scan3A_74 = %select_n3A) -> (vector<128x8192xf32>, vector<128x16xi32>)  : i32 {
      %reduce_min3A = arith.constant dense<0x7F800000> : vector<128xf32>
      %reduce_min3A_75 = vector.multi_reduction <minimumf>, %scan3A_73, %reduce_min3A [1] : vector<128x8192xf32> to vector<128xf32>
      %broadcast_in_dim3A_76 = vector.shape_cast %reduce_min3A_75 : vector<128xf32> to vector<128x1xf32>
      %eq3A_77 = vector.broadcast %broadcast_in_dim3A_76 : vector<128x1xf32> to vector<128x8192xf32>
      %eq3A_78 = arith.cmpf oeq, %scan3A_73, %eq3A_77 : vector<128x8192xf32>
      %jit3A_79 = arith.constant 1.000000e+09 : f32
      %broadcast_in_dim3A_80 = vector.broadcast %jit3A_79 : f32 to vector<128x8192xf32>
      %select_n3A_81 = arith.select %eq3A_78, %convert_element_type3A, %broadcast_in_dim3A_80 : vector<128x8192xi1>, vector<128x8192xf32>
      %reduce_min3A_82 = arith.constant dense<0x7F800000> : vector<128xf32>
      %reduce_min3A_83 = vector.multi_reduction <minimumf>, %select_n3A_81, %reduce_min3A_82 [1] : vector<128x8192xf32> to vector<128xf32>
      %broadcast_in_dim3A_84 = vector.shape_cast %reduce_min3A_83 : vector<128xf32> to vector<128x1xf32>
      %eq3A_85 = vector.broadcast %scan3A_72 : i32 to vector<128x16xi32>
      %eq3A_86 = arith.cmpi eq, %iota3A_17, %eq3A_85 : vector<128x16xi32>
      %convert_element_type3A_87 = arith.fptosi %broadcast_in_dim3A_84 : vector<128x1xf32> to vector<128x1xi32>
      %add3A_88 = vector.broadcast %mul3A_18 : i32 to vector<128x1xi32>
      %add3A_89 = arith.addi %convert_element_type3A_87, %add3A_88 : vector<128x1xi32>
      %broadcast_in_dim3A_90 = vector.shape_cast %add3A_89 : vector<128x1xi32> to vector<128x1xi32>
      %broadcast_in_dim3A_91 = vector.broadcast %broadcast_in_dim3A_90 : vector<128x1xi32> to vector<128x16xi32>
      %select_n3A_92 = arith.select %eq3A_86, %broadcast_in_dim3A_91, %scan3A_74 : vector<128x16xi1>, vector<128x16xi32>
      %eq3A_93 = vector.broadcast %broadcast_in_dim3A_84 : vector<128x1xf32> to vector<128x8192xf32>
      %eq3A_94 = arith.cmpf oeq, %convert_element_type3A, %eq3A_93 : vector<128x8192xf32>
      %jit3A_95 = arith.constant 0x7F800000 : f32
      %broadcast_in_dim3A_96 = vector.broadcast %jit3A_95 : f32 to vector<128x8192xf32>
      %select_n3A_97 = arith.select %eq3A_94, %broadcast_in_dim3A_96, %scan3A_73 : vector<128x8192xi1>, vector<128x8192xf32>
      scf.yield %select_n3A_97, %select_n3A_92 : vector<128x8192xf32>, vector<128x16xi32>
    }
    %scan3A_66 = arith.constant 15 : i32
    %swap3A = arith.constant 0 : index
    %swap3A_67 = arith.constant 0 : index
    %swap3A_68 = arith.constant 0 : index
    %swap3A_69 = vector.load %arg4[%swap3A, %swap3A_67, %swap3A_68] : memref<1x128x16xi32, #tpu.memory_space<vmem>>, vector<1x128x16xi32>
    %swap3A_70 = vector.shape_cast %swap3A_69 : vector<1x128x16xi32> to vector<128x16xi32>
    %swap3A_71 = vector.shape_cast %scan3A_65#1 : vector<128x16xi32> to vector<1x128x16xi32>
    tpu.vector_store %arg4[%swap3A, %swap3A_67, %swap3A_68], %swap3A_71 {strides = array<i32>} : memref<1x128x16xi32, #tpu.memory_space<vmem>>, vector<1x128x16xi32>,
    return
  }
  func.func @transform_0(%arg0: i32, %arg1: i32) -> (i32, i32, i32, i32) {
    %c0_i32 = arith.constant 0 : i32
    %c0_i32_0 = arith.constant 0 : i32
    %c0_i32_1 = arith.constant 0 : i32
    %c0_i32_2 = arith.constant 0 : i32
    return %arg0, %c0_i32, %c0_i32_0, %c0_i32_1 : i32, i32, i32, i32
  }
  func.func @transform_1(%arg0: i32, %arg1: i32) -> (i32, i32, i32) {
    %c0_i32 = arith.constant 0 : i32
    %c0_i32_0 = arith.constant 0 : i32
    return %arg0, %arg1, %c0_i32 : i32, i32, i32
  }
  func.func @transform_2(%arg0: i32, %arg1: i32) -> (i32, i32, i32) {
    %c0_i32 = arith.constant 0 : i32
    %c0_i32_0 = arith.constant 0 : i32
    return %arg0, %arg1, %c0_i32 : i32, i32, i32
  }
}

</mosaic_0001>

<sc_bundles>
// kernel: kernel.5.cloned.1.call-start
scs
__scs_entry_jumppad:
0x0: {  	(pc) =	sbr.rel $0x88, $3  }
0x1: {  	(tag) =	ssettag $0x0;
	lr =	simm.s32 $0x1  }
0x2: {  	[smem:$0x3FA0] =	sst lr;
	_ =	strace $0xD0000000  }
0x3: {  	_ = 	snop  }
0x4: {  	_ = 	snop  }
0x5: {  	_ = 	snop  }
0x6: {  	_ = 	snop  }
0x7: {  	_ = 	snop  }
__scs_overlays_trampoline_lowered:
0x8: {  	[smem:$0x3FAF] =	sst s0  }
0x9: {  	[smem:$0x3FB0] =	sst s1  }
0xa: {  	[smem:$0x3FB1] =	sst s2  }
0xb: {  	[smem:$0x3FB2] =	sst s3  }
0xc: {  	[smem:$0x3FB3] =	sst s4  }
0xd: {  	[smem:$0x3FB4] =	sst s5  }
0xe: {  	[smem:$0x3FB5] =	sst s6  }
0xf: {  	[smem:$0x3FB6] =	sst s7  }
0x10: {  	[smem:$0x3FB7] =	sst s8  }
0x11: {  	[smem:$0x3FB8] =	sst s9;
	s0 =	simm.s32 @!p0 $0x0  }
0x12: {  	s1 =	sld [smem:$0x3F9E];
	s0 =	simm.s32 @p0 $0x1  }
0x13: {  	[smem:$0x3FB9] =	sst s0;
	s0 =	simm.s32 @!p1 $0x0  }
0x14: {  	s2 =	sld [smem:$0x3F9D];
	s0 =	simm.s32 @p1 $0x1  }
0x15: {  	[smem:$0x3FBA] =	sst s0;
	s0 =	simm.s32 @!p2 $0x0  }
0x16: {  	s3 =	sld [smem:$0x3FDB];
	s0 =	simm.s32 @p2 $0x1  }
0x17: {  	s4 =	simm.s32 $0x1BF5;
	[smem:$0x3FBC] =	sst s0  }
0x18: {  	s0 =	sld [smem:$0x3F9F];
	_ =	swait.ge [sflag:s4], $0x0  }
0x19: {  	s7 =	sld [smem:$0x3FA0]  }
0x1a: {  	s8 =	sadd.s32 $0xFFFFE003, lr  }
0x1b: {  	s9 =	sadd.s32 $0xFFFFFEF7, lr;
	s5 =	simm.s32 $0xFFFFFFFF;
	p2 =	slt.u32 s8, $0xFFFFF086  }
0x1c: {  	p1 =	slt.u32 s9, $0xF7A;
	s5 =	simm.s32 @!p2 $0x0  }
0x1d: {  	s5 =	simm.s32 @p1 $0x1;
	p0 =	seq.s32 s7, s2  }
0x1e: {  	s7 =	smul.u32 @!p0 $0xF7A, s2;
	p2 =	seq.s32 @!p0 s5, $0x0  }
0x1f: {  	s9 =	smul.u32 $0xF7A, s1;
	s8 =	simm.s32 @!p0 $0x1BF5;
	p2 =	por !p2, p0  }
0x20: {  	[sflag:s8] =	ssyncset.s32 @!p0 $0xFFFFF086;
	s6 =	sadd.s32 @!p0 s3, s7;
	s7 =	simm.s32 @!p0 $0x108  }
0x21: {  	s3 =	sadd.s32 s3, s9;
	s6 =	sadd.s32 @!p0 $0x88, s6;
	s7 =	simm.s32 @p2 $0x1082  }
0x22: {  	[simem:s7], [sflag:s8] =	dma.local @!p0 [hbm:s6], $0xF7A  }
0x23: {  	s9 =	sor.u32 $0xD0000000, s2;
	s6 =	simm.s32 $0x108;
	_ =	swait.ge @!p0 [sflag:s8], $0x0  }
0x24: {  	s3 =	sadd.s32 $0x88, s3;
	s6 =	simm.s32 @!p1 $0x1082;
	[sflag:s4] =	ssyncset.s32 $0xFFFFF086  }
0x25: {  	[simem:s6], [sflag:s4] =	dma.local [hbm:s3], $0xF7A  }
0x26: {  	[smem:$0x3FA0] =	sst s1;
	(tag) =	ssettag s2;
	_ =	strace s9  }
0x27: {  	s1 =	sld [smem:$0x3FB0]  }
0x28: {  	s2 =	sld [smem:$0x3FB1]  }
0x29: {  	s4 =	sld [smem:$0x3FB3]  }
0x2a: {  	p0 =	seq.s32 s5, $0x0;
	s5 =	sld [smem:$0x3FB4]  }
0x2b: {  	s6 =	sld [smem:$0x3FB5]  }
0x2c: {  	s7 =	sld [smem:$0x3FB6]  }
0x2d: {  	s3 =	simm.s32 $0x108;
	s8 =	sld [smem:$0x3FB7]  }
0x2e: {  	s3 =	simm.s32 @!p0 $0x1082;
	s9 =	sld [smem:$0x3FB8]  }
0x2f: {  	lr =	sadd.s32 s0, s3;
	s0 =	sld [smem:$0x3FAF]  }
0x30: {  	s3 =	sld [smem:$0x3FB2]  }
0x31: {  	[smem:$0x3FBB] =	sst s10  }
0x32: {  	s10 =	sld [smem:$0x3FB9];
	_ =	sdelay $0x3  }
0x33: {  	p0 =	seq.s32 s10, $0x1;
	s10 =	sld [smem:$0x3FBB];
	_ =	sdelay $0x3  }
0x34: {  	[smem:$0x3FBB] =	sst s10  }
0x35: {  	s10 =	sld [smem:$0x3FBA];
	_ =	sdelay $0x3  }
0x36: {  	p1 =	seq.s32 s10, $0x1;
	s10 =	sld [smem:$0x3FBB];
	_ =	sdelay $0x3  }
0x37: {  	[smem:$0x3FBB] =	sst s10  }
0x38: {  	s10 =	sld [smem:$0x3FBC]  }
0x39: {  	_ = 	snop;
	(pc) =	sbr.ind lr, $3  }
0x3a: {  	_ = 	snop  }
0x3b: {  	_ = 	snop  }
0x3c: {  	p2 =	seq.s32 s10, $0x1;
	s10 =	sld [smem:$0x3FBB]  }
0x3d: {  	_ =	shalt  }
0x3e: {  	_ =	shalt  }
0x3f: {  	_ =	shalt  }
0x40: {  	_ =	shalt  }
0x41: {  	_ =	shalt  }
0x42: {  	_ =	shalt  }
0x43: {  	_ =	shalt  }
0x44: {  	_ =	shalt  }
0x45: {  	_ =	shalt  }
0x46: {  	_ =	shalt  }
0x47: {  	_ =	shalt  }
0x48: {  	_ =	shalt  }
0x49: {  	_ =	shalt  }
0x4a: {  	_ =	shalt  }
0x4b: {  	_ =	shalt  }
0x4c: {  	_ =	shalt  }
0x4d: {  	_ =	shalt  }
0x4e: {  	_ =	shalt  }
0x4f: {  	_ =	shalt  }
0x50: {  	_ =	shalt  }
0x51: {  	_ =	shalt  }
0x52: {  	_ =	shalt  }
0x53: {  	_ =	shalt  }
0x54: {  	_ =	shalt  }
0x55: {  	_ =	shalt  }
0x56: {  	_ =	shalt  }
0x57: {  	_ =	shalt  }
0x58: {  	_ =	shalt  }
0x59: {  	_ =	shalt  }
0x5a: {  	_ =	shalt  }
0x5b: {  	_ =	shalt  }
0x5c: {  	_ =	shalt  }
0x5d: {  	_ =	shalt  }
0x5e: {  	_ =	shalt  }
0x5f: {  	_ =	shalt  }
0x60: {  	_ =	shalt  }
0x61: {  	_ =	shalt  }
0x62: {  	_ =	shalt  }
0x63: {  	_ =	shalt  }
0x64: {  	_ =	shalt  }
0x65: {  	_ =	shalt  }
0x66: {  	_ =	shalt  }
0x67: {  	_ =	shalt  }
0x68: {  	_ =	shalt  }
0x69: {  	_ =	shalt  }
0x6a: {  	_ =	shalt  }
0x6b: {  	_ =	shalt  }
0x6c: {  	_ =	shalt  }
0x6d: {  	_ =	shalt  }
0x6e: {  	_ =	shalt  }
0x6f: {  	_ =	shalt  }
0x70: {  	_ =	shalt  }
0x71: {  	_ =	shalt  }
0x72: {  	_ =	shalt  }
0x73: {  	_ =	shalt  }
0x74: {  	_ =	shalt  }
0x75: {  	_ =	shalt  }
0x76: {  	_ =	shalt  }
0x77: {  	_ =	shalt  }
0x78: {  	_ =	shalt  }
0x79: {  	_ =	shalt  }
0x7a: {  	_ =	shalt  }
0x7b: {  	_ =	shalt  }
0x7c: {  	_ =	shalt  }
0x7d: {  	_ =	shalt  }
0x7e: {  	_ =	shalt  }
0x7f: {  	_ =	shalt  }
0x80: {  	_ =	shalt  }
0x81: {  	_ =	shalt  }
0x82: {  	_ =	shalt  }
0x83: {  	_ =	shalt  }
0x84: {  	_ =	shalt  }
0x85: {  	_ =	shalt  }
0x86: {  	_ =	shalt  }
0x87: {  	_ =	shalt  }
.Lfunc_end0:
.L_simem_size_0:
called_computation_lowered:
.L_overlay_start_0:
0x88: {  	s2 =	sld [smem:$0x3FD9]  }
0x89: {  	s3 =	sld [smem:$0x3FFE];
	_ =	sdelay $0x1  }
0x8a: {  	s1 =	srdreg.scid  }
0x8b: {  	s0 =	sand.u32 $0x1, s1  }
0x8c: {  	s17 =	sshll.u32 s0, $0xA;
	s2 =	sadd.s32 s3, s2  }
0x8d: {  	s2 =	sadd.s32 s2, s17  }
0x8e: {  	[smem:$0x3FC7] =	sst s2  }
0x8f: {  	_ = 	snop  }
0x90: {  	s2 =	sld [smem:$0x3FD0];
	(tm) =	ssettm $0x1  }
0x91: {  	s18 =	sld [smem:$0x3FFB];
	_ =	sdelay $0x3  }
0x92: {  	_ =	strace s18  }
0x93: {  	s3 =	sld [smem:$0x3FFC];
	_ =	sdelay $0x3  }
0x94: {  	_ =	strace s3  }
0x95: {  	s3 =	sld [smem:$0x3FFD];
	_ =	sdelay $0x3  }
0x96: {  	_ =	strace s3  }
0x97: {  	_ =	strace $0x8FFFFFFF  }
0x98: {  	s19 =	sld [smem:$0x3FDB];
	_ =	sdelay $0x1  }
0x99: {  	s4 =	simm.s32 $_scs_section_size  }
0x9a: {  	s5 =	simm.s32 $_size__tile_overlayer_lowered;
	s6 =	simm.s32 $_tile_overlayer_lowered  }
0x9b: {  	s22 =	simm.s32 $0x1BFF;
	s21 =	sshll.u32 s6, $0x1;
	s3 =	sadd.s32 s4, s19  }
0x9c: {  	s7 =	simm.s32 $0x0;
	s20 =	sshll.u32 s5, $0x1;
	s5 =	sadd.s32 s21, s3  }
0x9d: {  	[timem:s7], [sflag:s22] =	dma.local [hbm:s5], s20  }
0x9e: {  	_ =	swait.ge [sflag:s22], s20  }
0x9f: {  	s4 =	ssub.s32 $0x0, s20;
	[sflag:s22] =	ssyncset.done $0x0  }
0xa0: {  	[sflag:s22] =	ssyncadd.s32 s4;
	_ =	sdelay $0x1  }
0xa1: {  	s23 =	simm.s32 $0x1B8B  }
0xa2: {  	_ =	swait.ge [sflag:s23], $0x1  }
0xa3: {  	[sflag:s23] =	ssyncset.done $0x0  }
0xa4: {  	s25 =	simm.s32 $0x1B8E;
	s24 =	sld [smem:$0x3FFE];
	[sflag:s23] =	ssyncadd.s32 $0xFFFFFFFF  }
0xa5: {  	s26 =	simm.s32 $execute0_lowered;
	[smem:$0x3FD2] =	sst s25  }
0xa6: {  	s5 =	sshll.u32 s26, $0x1;
	_ =	strace $0x80000046;
	[dreg:$0x1] =	wrdreg $0xFFFFFFFF  }
0xa7: {  	s28 =	simm.s32 $_size_execute0_lowered;
	s3 =	sadd.s32 s3, s5;
	[dreg:$0x0] =	wrdreg $0x0  }
0xa8: {  	s5 =	sshll.u32 s28, $0x1;
	[dreg:$0x2] =	wrdreg s3  }
0xa9: {  	[dreg:$0x3] =	wrdreg s5  }
0xaa: {  	[dreg:$0x4] =	wrdreg $0xC0  }
0xab: {  	_ =	task [dreg:s7], $0x5FFFF  }
0xac: {  	[dreg:$0x1] =	wrdreg $0xFFFFFFFF  }
0xad: {  	[dreg:$0x0] =	wrdreg $0x60  }
0xae: {  	[dreg:$0x2] =	wrdreg s2  }
0xaf: {  	[dreg:$0x3] =	wrdreg s24  }
0xb0: {  	[dreg:$0x4] =	wrdreg $0x9  }
0xb1: {  	_ =	task.clear_ibuf [dreg:s7], $0x5FFFF;
	_ =	strace $0x90000046  }
0xb2: {  	s29 =	simm.s32 $0x9;
	_ =	strace $0x80000048  }
0xb3: {  	_ =	swait.ge [sflag:s29], $0x1  }
0xb4: {  	[sflag:s29] =	ssyncadd.s32 $0xFFFFFFFF  }
0xb5: {  	_ =	strace $0x90000048  }
0xb6: {  	_ =	sfence  }
0xb7: {  	s30 =	sld [smem:$0x0];
	_ =	sdelay $0x2  }
0xb8: {  	s31 =	sshll.u32 s1, $0xD;
	s1 =	sshrl.u32 s1, $0x2  }
0xb9: {  	s3 =	sand.u32 $0x4000, s31;
	s1 =	sadd.s32 s1, s30  }
0xba: {  	s0 =	sor.u32 s3, s0;
	s1 =	sshll.u32 s1, $0x11  }
0xbb: {  	s0 =	sor.u32 s1, s0  }
0xbc: {  	s0 =	sadd.s32 $0x8F2B, s0  }
0xbd: {  	[sflag:s0] =	ssyncadd.remote.s32 $0x1  }
0xbe: {  	_ =	sfence.sel $0xFFFF  }
0xbf: {  	[dreg:$0x0] =	wrdreg $0xFFFFFFFF;
	(pc) =	sbr.abs _section_cstart, $3  }
0xc0: {  	[dreg:$0x1] =	wrdreg $0xFFFFFFFF  }
0xc1: {  	_ =	task.clear_ibuf [dreg:s7], $0x2FFFF;
	_ =	strace $0x9FFFFFFF  }
0xc2: {  	(tm) =	ssettm $0x7FFFFFFF  }
0xc3: {  	_ =	shalt  }
tec
execute0_lowered:
.L_overlay_start_1:
0x0: {  	(tag) =	ssettag $0x1  }
0x1: {  	s1 =	srdreg.scid  }
0x2: {  	s0 =	stileid.u32;
	s6 =	sand.u32 $0x1, s1  }
0x3: {  	s2 =	rddreg [dreg:$0x0];
	s30 =	sshll.u32 s0, $0xB;
	s3 =	sshll.u32 s6, $0xA  }
0x4: {  	s8 =	rddreg [dreg:$0x1];
	s7 =	simm.s32 $0x1;
	s9 =	sor.u32 s3, s30  }
0x5: {  	s1 =	rddreg [dreg:$0x2];
	s3 =	simm.s32 $0x0;
	s4 =	sshrl.u32 s9, $0x3  }
0x6: {  	s10 =	ssub.s32 $0x2, s6;
	[smem:$0x7FF] =	sst s3;
	s4 =	sadd.s32 s4, s8  }
0x7: {  	_ =	strace $0x80000047;
	s5 =	sadd.s32 $0x400, s4;
	s4 =	simm.s32 $0x2  }
0x8: {  	[tilespmem:s3], [sflag:$0x2] =	stream.linear.gather [hbm4b:s5+s3], $0x400, $0x38;
	[tilespmem:$0x4400] =	vst v63  }
0x9: {  	s6 =	simm.s32 $0x400;
	s11 =	sshrl.u32 s10, $0x1;
	_ =	swait.ge [sflag:s4], $0x400  }
0xa: {  	s9 =	sshll.u32 s9, $0x1;
	s31 =	ssub.s32 s10, s11;
	[sflag:s4] =	ssyncset.done $0x0  }
0xb: {  	s8 =	sadd.s32 s9, s8;
	s9 =	smax.u32 s31, $0x1;
	[sflag:s4] =	ssyncadd.s32 $0xFFFFFC00  }
0xc: {  	[tilespmem:s6], [sflag:$0x1] =	stream.indirect.gather [hbm4b:s2+s6], $0x10, s3, s6, $0xb8;
	[tilespmem:$0x4400] =	vst v63  }
0xd: {  	p0 =	sne.s32 s9, $0x1;
	_ =	swait.ge [sflag:s7], $0x4000  }
.Ltmp0:
0xe: {  	[sflag:s7] =	ssyncset.done $0x0;
	(pc) =	sbr.rel @!p0 .LBB2_2-.Ltmp0, $4  }
0xf: {  	s8 =	sadd.s32 $0x1400, s8;
	[sflag:s7] =	ssyncadd.s32 $0xFFFFC000  }
0x10: {  	[hbm4b:s8+s3] =	stream.linear.scatter [tilespmem:s6], [sflag:$0x2], $0x4000, $0x38;
	[tilespmem:$0x4400] =	vst v63  }
0x11: {  	_ =	swait.ge [sflag:s4], $0x4000  }
0x12: {  	s9 =	sadd.s32 $0xFFFFFFFF, s9;
	[sflag:s4] =	ssyncset.done $0x0  }
.LBB2_1:
0x13: {  	p0 =	sne.s32 s9, $0x1;
	s9 =	sadd.s32 $0xFFFFFFFF, s9;
	[sflag:s4] =	ssyncadd.s32 $0xFFFFC000  }
0x14: {  	[tilespmem:s3], [sflag:$0x2] =	stream.linear.gather [hbm4b:s5+s3], $0x400, $0x38;
	[tilespmem:$0x4400] =	vst v63  }
0x15: {  	_ =	swait.ge [sflag:s4], $0x400  }
0x16: {  	[sflag:s4] =	ssyncset.done $0x0  }
0x17: {  	[sflag:s4] =	ssyncadd.s32 $0xFFFFFC00  }
0x18: {  	[tilespmem:s6], [sflag:$0x1] =	stream.indirect.gather [hbm4b:s2+s6], $0x10, s3, s6, $0xb8;
	[tilespmem:$0x4400] =	vst v63  }
0x19: {  	_ =	swait.ge [sflag:s7], $0x4000  }
.Ltmp1:
0x1a: {  	[sflag:s7] =	ssyncset.done $0x0;
	(pc) =	sbr.rel @p0 .LBB2_1-.Ltmp1, $4  }
0x1b: {  	[sflag:s7] =	ssyncadd.s32 $0xFFFFC000  }
0x1c: {  	[hbm4b:s8+s3] =	stream.linear.scatter [tilespmem:s6], [sflag:$0x2], $0x4000, $0x38;
	[tilespmem:$0x4400] =	vst v63  }
0x1d: {  	_ =	swait.ge [sflag:s4], $0x4000  }
0x1e: {  	[sflag:s4] =	ssyncset.done $0x0  }
.LBB2_2:
0x1f: {  	[sflag:s4] =	ssyncadd.s32 $0xFFFFC000  }
0x20: {  	_ =	sfence.sel $0x180000  }
0x21: {  	[bflag:$0x0] =	sbarrier.arrive $0xFFFF  }
0x22: {  	p0 =	sne.s32 s0, $0x0;
	_ =	strace $0x90000047  }
0x23: {  	s0 =	sadd.s32 @!p0 $0x100000, s1;
	[bflag:$0x2] =	sbarrier.arrive $0xFFFF  }
0x24: {  	[sflag:s0] =	ssyncadd.tile.s32 @!p0 $0x1;
	_ =	shalt  }
.Lfunc_end2:
_tile_overlayer_lowered:
.L_overlay_start_2:
0x25: {  	(tag) =	ssettag $0x2  }
0x26: {  	s0 =	rddreg [dreg:$0x0];
	s2 =	stileid.u32  }
0x27: {  	s1 =	rddreg [dreg:$0x1];
	p0 =	sne.s32 s2, $0x0  }
0x28: {  	s3 =	rddreg [dreg:$0x2];
	[bflag:$0x3] =	sbarrier.arrive $0xFFFF;
	s2 =	simm.s32 @!p0 $0x1C02  }
0x29: {  	[timem:s3], [sflag:s2] =	dma.local @!p0 [hbm:s0], s1  }
0x2a: {  	s0 =	simm.s32 @!p0 $0x2  }
0x2b: {  	_ =	swait.ge @!p0 [sflag:s0], s1  }
0x2c: {  	s1 =	ssub.s32 @!p0 $0x0, s1;
	[sflag:s0] =	ssyncset.done @!p0 $0x0  }
0x2d: {  	[sflag:s0] =	ssyncadd.s32 @!p0 s1  }
0x2e: {  	[bflag:$0x3] =	sbarrier.arrive $0xFFFF  }
0x2f: {  	_ =	shalt  }

</sc_bundles>
